<compile_context>
chip_gen: v7x
topology: tpu7x:2x2x1
jax: 0.10.2.dev20260603
libtpu: 0.0.44.dev20260713+nightly
codegen_flags: <defaults>
</compile_context>

<pallas_src>
import functools

import jax
import jax.numpy as jnp
from jax import lax
from jax.experimental import pallas as pl
from jax.experimental.pallas import tpu as pltpu
from jax.experimental.pallas import tpu_sc as plsc

_NUM_SEGMENTS = 1024
_D = 128
_NC = 2
_NS = 16
_NW = _NC * _NS
_CHUNK = 128
_SEG_PER_TILE = _NUM_SEGMENTS // _NS


def _sc_segment_sum(h_t, idx_stream, zeros64, *, nch, max_chunks_per_worker):
  n = h_t.shape[0]

  def body(h_hbm, idx_hbm, z_hbm, out_hbm, acc, idx_v, rows_v):
    c = lax.axis_index("c")
    s = lax.axis_index("s")
    wid = c * _NS + s

    pltpu.sync_copy(z_hbm, acc.at[pl.ds(s * _SEG_PER_TILE, _SEG_PER_TILE)])

    @pl.when(s == 0)
    def _():
      pltpu.sync_copy(z_hbm.at[pl.ds(0, 1)], acc.at[pl.ds(_NUM_SEGMENTS, 1)])

    lo = wid * nch // _NW
    hi = (wid + 1) * nch // _NW
    pltpu.sync_copy(idx_hbm.at[wid], idx_v)
    plsc.subcore_barrier()

    def step(j, carry):
      @pl.when(j < hi - lo)
      def _():
        r = lo + j
        off = lax.min(r * _CHUNK, n - _CHUNK)
        pltpu.sync_copy(h_hbm.at[pl.ds(off, _CHUNK)], rows_v)
        pltpu.sync_copy(rows_v, acc.at[idx_v.at[j]], add=True)
      return carry

    lax.fori_loop(0, max_chunks_per_worker, step, 0)
    plsc.subcore_barrier()

    pltpu.sync_copy(
        acc.at[pl.ds(s * _SEG_PER_TILE, _SEG_PER_TILE)],
        out_hbm.at[c, pl.ds(s * _SEG_PER_TILE, _SEG_PER_TILE)])

  mesh = plsc.VectorSubcoreMesh(core_axis_name="c", subcore_axis_name="s")
  run = pl.kernel(
      body,
      out_type=jax.ShapeDtypeStruct((_NC, _NUM_SEGMENTS, _D), jnp.float32),
      mesh=mesh,
      scratch_types=[
          pltpu.VMEM_SHARED((_NUM_SEGMENTS + 1, _D), jnp.float32),
          pltpu.VMEM((max_chunks_per_worker, _CHUNK), jnp.int32),
          pltpu.VMEM((_CHUNK, _D), jnp.float32),
      ],
  )
  return run(h_t, idx_stream, zeros64)


def _merge_body(p_ref, o_ref):
  o_ref[...] = p_ref[0] + p_ref[1]


@jax.jit
def kernel(h_t, batch):
  n, d = h_t.shape
  nch = -(-n // _CHUNK)
  dup = nch * _CHUNK - n

  idx32 = batch.astype(jnp.int32)
  head = idx32[: (nch - 1) * _CHUNK]
  tail = idx32[(nch - 1) * _CHUNK :]
  dump = jnp.full((dup,), _NUM_SEGMENTS, jnp.int32)
  idx_stream = jnp.concatenate([head, dump, tail]).reshape(nch, _CHUNK)

  zeros64 = jnp.zeros((_SEG_PER_TILE, _D), jnp.float32)
  max_chunks = -(-nch // _NW)
  rows = (jnp.arange(_NW)[:, None] * nch // _NW) + jnp.arange(max_chunks)
  idx_stream = jnp.take(idx_stream, rows, axis=0)

  partials = _sc_segment_sum(
      h_t, idx_stream, zeros64, nch=nch, max_chunks_per_worker=max_chunks)

  return pl.pallas_call(
      _merge_body,
      out_shape=jax.ShapeDtypeStruct((_NUM_SEGMENTS, _D), jnp.float32),
  )(partials)

# --- scband reference (transcript-rebuilt; emitter-appended) ---
"""Pipeline reference for scband-random-intervention-64115271794807 (READ-ONLY COPY).

The authoritative reference and input builder live on the scoring server;
editing this copy changes nothing except your own understanding.
"""

import jax, jax.numpy as jnp
import numpy as np

NUM_GRAPHS = 1024
N = 100000
D = 128

def setup_inputs(seed: int = 0) -> dict:
    key = jax.random.key(seed)
    k1, k2 = jax.random.split(key)
    h_t = jax.random.normal(k1, (N, D), dtype=jnp.float32)
    batch = jnp.sort(jax.random.randint(k2, (N,), 0, NUM_GRAPHS, dtype=jnp.int64))
    return {"h_t": h_t, "batch": batch}

def reference(h_t, batch):
    # Faithful translation: randomly permute node features WITHIN each graph
    # (segment), then global_add_pool == segment_sum over batch ids.
    # Deterministic per-node random keys + stable lexsort by (batch, rand)
    # implements an independent shuffle inside every contiguous segment.
    rkey = jax.random.key(42)
    r = jax.random.uniform(rkey, (h_t.shape[0],), dtype=jnp.float32)
    order = jnp.lexsort((r, batch))  # primary key: batch (already sorted), secondary: random -> within-segment shuffle
    shuffled_h_t = jnp.take(h_t, order, axis=0)
    pooled = jax.ops.segment_sum(shuffled_h_t, batch, num_segments=NUM_GRAPHS)
    return pooled

if __name__ == "__main__":
    import jax
    _d = setup_inputs()
    print(jax.jit(kernel)(*tuple(_d.values())))

</pallas_src>

<mosaic_0001>
#map = affine_map<(d0, d1) -> (0, 0)>
#map1 = affine_map<(d0, d1) -> (0, 0, 0)>
module attributes {stable_mosaic.version = 14 : i64} {
  func.func @body(%arg0: i32, %arg1: i32, %arg2: memref<100000x128xf32, #tpu.memory_space<hbm>>, %arg3: memref<32x25x128xi32, #tpu.memory_space<hbm>>, %arg4: memref<64x128xf32, #tpu.memory_space<hbm>>, %arg5: memref<2x1024x128xf32, #tpu.memory_space<hbm>>, %arg6: memref<1025x128xf32, #tpu.memory_space<vmem_shared>>, %arg7: memref<25x128xi32, #tpu.memory_space<vmem>>, %arg8: memref<128x128xf32, #tpu.memory_space<vmem>>) attributes {dimension_semantics = [#tpu.dimension_semantics<core_parallel>, #tpu.dimension_semantics<subcore_parallel>], iteration_bounds = array<i64: 2, 16>, scalar_prefetch = 0 : i64, scratch_operands = 3 : i64, tpu.core_type = #tpu.core_type<sc_vector_subcore>, window_params = [{transform_indices = #map}, {transform_indices = #map1}, {transform_indices = #map}, {transform_indices = #map1}]} {
    %mul3A = arith.constant 16 : i32
    %mul3A_0 = arith.muli %arg0, %mul3A : i32
    %add3A = arith.addi %mul3A_0, %arg1 : i32
    %mul3A_1 = arith.constant 64 : i32
    %mul3A_2 = arith.muli %arg1, %mul3A_1 : i32
    "tpu.region"() ({
      %run_scoped3A = tpu.sem_alloc : memref<!tpu.dma_semaphore, #tpu.memory_space<semaphore_mem>>
      %dma_start3A = arith.constant 0 : i32
      %dma_start3A_61 = tpu.memref_slice %arg6[%mul3A_2, %dma_start3A] : memref<1025x128xf32, #tpu.memory_space<vmem_shared>> -> memref<64x128xf32, #tpu.memory_space<vmem_shared>>
      tpu.enqueue_dma source(%arg4 : memref<64x128xf32, #tpu.memory_space<hbm>>) target(%dma_start3A_61 : memref<64x128xf32, #tpu.memory_space<vmem_shared>>) target_semaphore(%run_scoped3A : memref<!tpu.dma_semaphore, #tpu.memory_space<semaphore_mem>>)
      %dma_wait3A = arith.constant 0 : i32
      %dma_wait3A_62 = tpu.memref_slice %arg6[%mul3A_2, %dma_wait3A] : memref<1025x128xf32, #tpu.memory_space<vmem_shared>> -> memref<64x128xf32, #tpu.memory_space<vmem_shared>>
      tpu.wait_dma2 semaphore(%run_scoped3A : memref<!tpu.dma_semaphore, #tpu.memory_space<semaphore_mem>>) src(%arg4 : memref<64x128xf32, #tpu.memory_space<hbm>>) dst(%dma_wait3A_62 : memref<64x128xf32, #tpu.memory_space<vmem_shared>>)
      tpu.yield
    }) : () -> ()
    %eq3A = arith.constant 0 : i32
    %eq3A_3 = arith.cmpi eq, %arg1, %eq3A : i32
    %convert_element_type3A = arith.extui %eq3A_3 : i1 to i32
    %cond3A = arith.constant 0 : i32
    %cond3A_4 = arith.cmpi ne, %convert_element_type3A, %cond3A : i32
    scf.if %cond3A_4 {
      "tpu.region"() ({
        %run_scoped3A = tpu.sem_alloc : memref<!tpu.dma_semaphore, #tpu.memory_space<semaphore_mem>>
        %dma_start3A = arith.constant 1024 : i32
        %dma_start3A_61 = arith.constant 0 : i32
        %dma_start3A_62 = tpu.memref_slice %arg6[%dma_start3A, %dma_start3A_61] : memref<1025x128xf32, #tpu.memory_space<vmem_shared>> -> memref<1x128xf32, #tpu.memory_space<vmem_shared>>
        %dma_start3A_63 = arith.constant 0 : i32
        %dma_start3A_64 = arith.constant 0 : i32
        %dma_start3A_65 = tpu.memref_slice %arg4[%dma_start3A_63, %dma_start3A_64] : memref<64x128xf32, #tpu.memory_space<hbm>> -> memref<1x128xf32, #tpu.memory_space<hbm>>
        tpu.enqueue_dma source(%dma_start3A_65 : memref<1x128xf32, #tpu.memory_space<hbm>>) target(%dma_start3A_62 : memref<1x128xf32, #tpu.memory_space<vmem_shared>>) target_semaphore(%run_scoped3A : memref<!tpu.dma_semaphore, #tpu.memory_space<semaphore_mem>>)
        %dma_wait3A = arith.constant 1024 : i32
        %dma_wait3A_66 = arith.constant 0 : i32
        %dma_wait3A_67 = tpu.memref_slice %arg6[%dma_wait3A, %dma_wait3A_66] : memref<1025x128xf32, #tpu.memory_space<vmem_shared>> -> memref<1x128xf32, #tpu.memory_space<vmem_shared>>
        %dma_wait3A_68 = arith.constant 0 : i32
        %dma_wait3A_69 = arith.constant 0 : i32
        %dma_wait3A_70 = tpu.memref_slice %arg4[%dma_wait3A_68, %dma_wait3A_69] : memref<64x128xf32, #tpu.memory_space<hbm>> -> memref<1x128xf32, #tpu.memory_space<hbm>>
        tpu.wait_dma2 semaphore(%run_scoped3A : memref<!tpu.dma_semaphore, #tpu.memory_space<semaphore_mem>>) src(%dma_wait3A_70 : memref<1x128xf32, #tpu.memory_space<hbm>>) dst(%dma_wait3A_67 : memref<1x128xf32, #tpu.memory_space<vmem_shared>>)
        tpu.yield
      }) : () -> ()
    } else {
    }
    %mul3A_5 = arith.constant 782 : i32
    %mul3A_6 = arith.muli %add3A, %mul3A_5 : i32
    %jit3A = arith.constant 32 : i32
    %div3A = arith.divsi %mul3A_6, %jit3A : i32
    %sign3A = arith.constant 0 : i32
    %sign3A_7 = arith.cmpi sgt, %mul3A_6, %sign3A : i32
    %sign3A_8 = arith.extui %sign3A_7 : i1 to i32
    %sign3A_9 = arith.constant 0 : i32
    %sign3A_10 = arith.cmpi slt, %mul3A_6, %sign3A_9 : i32
    %sign3A_11 = arith.extui %sign3A_10 : i1 to i32
    %sign3A_12 = arith.subi %sign3A_8, %sign3A_11 : i32
    %sign3A_13 = arith.constant 0 : i32
    %sign3A_14 = arith.cmpi sgt, %jit3A, %sign3A_13 : i32
    %sign3A_15 = arith.extui %sign3A_14 : i1 to i32
    %sign3A_16 = arith.constant 0 : i32
    %sign3A_17 = arith.cmpi slt, %jit3A, %sign3A_16 : i32
    %sign3A_18 = arith.extui %sign3A_17 : i1 to i32
    %sign3A_19 = arith.subi %sign3A_15, %sign3A_18 : i32
    %ne3A = arith.cmpi ne, %sign3A_12, %sign3A_19 : i32
    %rem3A = arith.remsi %mul3A_6, %jit3A : i32
    %ne3A_20 = arith.constant 0 : i32
    %ne3A_21 = arith.cmpi ne, %rem3A, %ne3A_20 : i32
    %and3A = arith.andi %ne3A, %ne3A_21 : i1
    %sub3A = arith.constant 1 : i32
    %sub3A_22 = arith.subi %div3A, %sub3A : i32
    %select_n3A = arith.select %and3A, %sub3A_22, %div3A : i32
    %add3A_23 = arith.constant 1 : i32
    %add3A_24 = arith.addi %add3A, %add3A_23 : i32
    %mul3A_25 = arith.constant 782 : i32
    %mul3A_26 = arith.muli %add3A_24, %mul3A_25 : i32
    %jit3A_27 = arith.constant 32 : i32
    %div3A_28 = arith.divsi %mul3A_26, %jit3A_27 : i32
    %sign3A_29 = arith.constant 0 : i32
    %sign3A_30 = arith.cmpi sgt, %mul3A_26, %sign3A_29 : i32
    %sign3A_31 = arith.extui %sign3A_30 : i1 to i32
    %sign3A_32 = arith.constant 0 : i32
    %sign3A_33 = arith.cmpi slt, %mul3A_26, %sign3A_32 : i32
    %sign3A_34 = arith.extui %sign3A_33 : i1 to i32
    %sign3A_35 = arith.subi %sign3A_31, %sign3A_34 : i32
    %sign3A_36 = arith.constant 0 : i32
    %sign3A_37 = arith.cmpi sgt, %jit3A_27, %sign3A_36 : i32
    %sign3A_38 = arith.extui %sign3A_37 : i1 to i32
    %sign3A_39 = arith.constant 0 : i32
    %sign3A_40 = arith.cmpi slt, %jit3A_27, %sign3A_39 : i32
    %sign3A_41 = arith.extui %sign3A_40 : i1 to i32
    %sign3A_42 = arith.subi %sign3A_38, %sign3A_41 : i32
    %ne3A_43 = arith.cmpi ne, %sign3A_35, %sign3A_42 : i32
    %rem3A_44 = arith.remsi %mul3A_26, %jit3A_27 : i32
    %ne3A_45 = arith.constant 0 : i32
    %ne3A_46 = arith.cmpi ne, %rem3A_44, %ne3A_45 : i32
    %and3A_47 = arith.andi %ne3A_43, %ne3A_46 : i1
    %sub3A_48 = arith.constant 1 : i32
    %sub3A_49 = arith.subi %div3A_28, %sub3A_48 : i32
    %select_n3A_50 = arith.select %and3A_47, %sub3A_49, %div3A_28 : i32
    "tpu.region"() ({
      %run_scoped3A = tpu.sem_alloc : memref<!tpu.dma_semaphore, #tpu.memory_space<semaphore_mem>>
      %dma_start3A = arith.constant 0 : i32
      %dma_start3A_61 = arith.constant 0 : i32
      %dma_start3A_62 = tpu.memref_slice %arg3[%add3A, %dma_start3A, %dma_start3A_61] : memref<32x25x128xi32, #tpu.memory_space<hbm>> -> memref<1x25x128xi32, #tpu.memory_space<hbm>>
      %dma_start3A_63 = tpu.memref_squeeze %dma_start3A_62 : memref<1x25x128xi32, #tpu.memory_space<hbm>> -> memref<25x128xi32, #tpu.memory_space<hbm>>
      %dma_start3A_64 = arith.constant 0 : i32
      %dma_start3A_65 = arith.constant 0 : i32
      %dma_start3A_66 = tpu.memref_slice %arg3[%add3A, %dma_start3A_64, %dma_start3A_65] : memref<32x25x128xi32, #tpu.memory_space<hbm>> -> memref<1x25x128xi32, #tpu.memory_space<hbm>>
      %dma_start3A_67 = tpu.memref_squeeze %dma_start3A_66 : memref<1x25x128xi32, #tpu.memory_space<hbm>> -> memref<25x128xi32, #tpu.memory_space<hbm>>
      tpu.enqueue_dma source(%dma_start3A_67 : memref<25x128xi32, #tpu.memory_space<hbm>>) target(%arg7 : memref<25x128xi32, #tpu.memory_space<vmem>>) target_semaphore(%run_scoped3A : memref<!tpu.dma_semaphore, #tpu.memory_space<semaphore_mem>>)
      %dma_wait3A = arith.constant 0 : i32
      %dma_wait3A_68 = arith.constant 0 : i32
      %dma_wait3A_69 = tpu.memref_slice %arg3[%add3A, %dma_wait3A, %dma_wait3A_68] : memref<32x25x128xi32, #tpu.memory_space<hbm>> -> memref<1x25x128xi32, #tpu.memory_space<hbm>>
      %dma_wait3A_70 = tpu.memref_squeeze %dma_wait3A_69 : memref<1x25x128xi32, #tpu.memory_space<hbm>> -> memref<25x128xi32, #tpu.memory_space<hbm>>
      %dma_wait3A_71 = arith.constant 0 : i32
      %dma_wait3A_72 = arith.constant 0 : i32
      %dma_wait3A_73 = tpu.memref_slice %arg3[%add3A, %dma_wait3A_71, %dma_wait3A_72] : memref<32x25x128xi32, #tpu.memory_space<hbm>> -> memref<1x25x128xi32, #tpu.memory_space<hbm>>
      %dma_wait3A_74 = tpu.memref_squeeze %dma_wait3A_73 : memref<1x25x128xi32, #tpu.memory_space<hbm>> -> memref<25x128xi32, #tpu.memory_space<hbm>>
      tpu.wait_dma2 semaphore(%run_scoped3A : memref<!tpu.dma_semaphore, #tpu.memory_space<semaphore_mem>>) src(%dma_wait3A_74 : memref<25x128xi32, #tpu.memory_space<hbm>>) dst(%arg7 : memref<25x128xi32, #tpu.memory_space<vmem>>)
      tpu.yield
    }) : () -> ()
    %barrier3A = arith.constant 0 : index
    tpu.barrier barrier_id(%barrier3A)
    %scan3A = arith.constant 0 : i32
    %scan3A_51 = arith.constant 0 : i32
    %scan3A_52 = arith.constant 25 : i32
    %scan3A_53 = arith.addi %scan3A_51, %scan3A_52 : i32
    %scan3A_54 = arith.constant 1 : i32
    scf.for %scan3A_61 = %scan3A_51 to %scan3A_53 step %scan3A_54  : i32 {
      %sub3A_62 = arith.subi %select_n3A_50, %select_n3A : i32
      %lt3A = arith.cmpi slt, %scan3A_61, %sub3A_62 : i32
      %convert_element_type3A_63 = arith.extui %lt3A : i1 to i32
      %cond3A_64 = arith.constant 0 : i32
      %cond3A_65 = arith.cmpi ne, %convert_element_type3A_63, %cond3A_64 : i32
      scf.if %cond3A_65 {
        %add3A_66 = arith.addi %select_n3A, %scan3A_61 : i32
        %mul3A_67 = arith.constant 128 : i32
        %mul3A_68 = arith.muli %add3A_66, %mul3A_67 : i32
        %min3A = arith.constant 99872 : i32
        %min3A_69 = arith.minsi %mul3A_68, %min3A : i32
        "tpu.region"() ({
          %run_scoped3A = tpu.sem_alloc : memref<!tpu.dma_semaphore, #tpu.memory_space<semaphore_mem>>
          %dma_start3A = arith.constant 0 : i32
          %dma_start3A_70 = tpu.memref_slice %arg2[%min3A_69, %dma_start3A] : memref<100000x128xf32, #tpu.memory_space<hbm>> -> memref<128x128xf32, #tpu.memory_space<hbm>>
          %dma_start3A_71 = arith.constant 0 : i32
          %dma_start3A_72 = tpu.memref_slice %arg2[%min3A_69, %dma_start3A_71] : memref<100000x128xf32, #tpu.memory_space<hbm>> -> memref<128x128xf32, #tpu.memory_space<hbm>>
          tpu.enqueue_dma source(%dma_start3A_72 : memref<128x128xf32, #tpu.memory_space<hbm>>) target(%arg8 : memref<128x128xf32, #tpu.memory_space<vmem>>) target_semaphore(%run_scoped3A : memref<!tpu.dma_semaphore, #tpu.memory_space<semaphore_mem>>)
          %dma_wait3A = arith.constant 0 : i32
          %dma_wait3A_73 = tpu.memref_slice %arg2[%min3A_69, %dma_wait3A] : memref<100000x128xf32, #tpu.memory_space<hbm>> -> memref<128x128xf32, #tpu.memory_space<hbm>>
          %dma_wait3A_74 = arith.constant 0 : i32
          %dma_wait3A_75 = tpu.memref_slice %arg2[%min3A_69, %dma_wait3A_74] : memref<100000x128xf32, #tpu.memory_space<hbm>> -> memref<128x128xf32, #tpu.memory_space<hbm>>
          tpu.wait_dma2 semaphore(%run_scoped3A : memref<!tpu.dma_semaphore, #tpu.memory_space<semaphore_mem>>) src(%dma_wait3A_75 : memref<128x128xf32, #tpu.memory_space<hbm>>) dst(%arg8 : memref<128x128xf32, #tpu.memory_space<vmem>>)
          tpu.yield
        }) : () -> ()
        "tpu.region"() ({
          %run_scoped3A = tpu.sem_alloc : memref<!tpu.dma_semaphore, #tpu.memory_space<semaphore_mem>>
          %dma_start3A = arith.constant 0 : i32
          %dma_start3A_70 = tpu.memref_slice %arg7[%scan3A_61, %dma_start3A] : memref<25x128xi32, #tpu.memory_space<vmem>> -> memref<1x128xi32, #tpu.memory_space<vmem>>
          %dma_start3A_71 = tpu.memref_squeeze %dma_start3A_70 : memref<1x128xi32, #tpu.memory_space<vmem>> -> memref<128xi32, #tpu.memory_space<vmem>>
          %dma_start3A_72 = arith.constant 0 : i32
          %dma_start3A_73 = arith.constant 0 : i32
          %dma_start3A_74 = tpu.memref_slice %arg6[%dma_start3A_72, %dma_start3A_73] : memref<1025x128xf32, #tpu.memory_space<vmem_shared>> -> memref<1025x128xf32, #tpu.memory_space<vmem_shared>>
          tpu.enqueue_indirect_dma source(%arg8 : memref<128x128xf32, #tpu.memory_space<vmem>>) target(%dma_start3A_74 : memref<1025x128xf32, #tpu.memory_space<vmem_shared>>) offsets(%dma_start3A_71 : memref<128xi32, #tpu.memory_space<vmem>>) semaphore(%run_scoped3A : memref<!tpu.dma_semaphore, #tpu.memory_space<semaphore_mem>>) {add = true}
          %dma_wait3A = arith.constant 0 : i32
          %dma_wait3A_75 = tpu.memref_slice %arg7[%scan3A_61, %dma_wait3A] : memref<25x128xi32, #tpu.memory_space<vmem>> -> memref<1x128xi32, #tpu.memory_space<vmem>>
          %dma_wait3A_76 = tpu.memref_squeeze %dma_wait3A_75 : memref<1x128xi32, #tpu.memory_space<vmem>> -> memref<128xi32, #tpu.memory_space<vmem>>
          %dma_wait3A_77 = arith.constant 0 : i32
          %dma_wait3A_78 = arith.constant 0 : i32
          %dma_wait3A_79 = tpu.memref_slice %arg6[%dma_wait3A_77, %dma_wait3A_78] : memref<1025x128xf32, #tpu.memory_space<vmem_shared>> -> memref<1025x128xf32, #tpu.memory_space<vmem_shared>>
          tpu.wait_indirect_dma semaphore(%run_scoped3A : memref<!tpu.dma_semaphore, #tpu.memory_space<semaphore_mem>>) src(%arg8 : memref<128x128xf32, #tpu.memory_space<vmem>>) dst(%dma_wait3A_79 : memref<1025x128xf32, #tpu.memory_space<vmem_shared>>)
          tpu.yield
        }) : () -> ()
      } else {
      }
    }
    %scan3A_55 = arith.constant 25 : i32
    %barrier3A_56 = arith.constant 0 : index
    tpu.barrier barrier_id(%barrier3A_56)
    %mul3A_57 = arith.constant 64 : i32
    %mul3A_58 = arith.muli %arg1, %mul3A_57 : i32
    %mul3A_59 = arith.constant 64 : i32
    %mul3A_60 = arith.muli %arg1, %mul3A_59 : i32
    "tpu.region"() ({
      %run_scoped3A = tpu.sem_alloc : memref<!tpu.dma_semaphore, #tpu.memory_space<semaphore_mem>>
      %dma_start3A = arith.constant 0 : i32
      %dma_start3A_61 = tpu.memref_slice %arg5[%arg0, %mul3A_60, %dma_start3A] : memref<2x1024x128xf32, #tpu.memory_space<hbm>> -> memref<1x64x128xf32, #tpu.memory_space<hbm>>
      %dma_start3A_62 = tpu.memref_squeeze %dma_start3A_61 : memref<1x64x128xf32, #tpu.memory_space<hbm>> -> memref<64x128xf32, #tpu.memory_space<hbm>>
      %dma_start3A_63 = arith.constant 0 : i32
      %dma_start3A_64 = tpu.memref_slice %arg6[%mul3A_58, %dma_start3A_63] : memref<1025x128xf32, #tpu.memory_space<vmem_shared>> -> memref<64x128xf32, #tpu.memory_space<vmem_shared>>
      tpu.enqueue_dma source(%dma_start3A_64 : memref<64x128xf32, #tpu.memory_space<vmem_shared>>) target(%dma_start3A_62 : memref<64x128xf32, #tpu.memory_space<hbm>>) target_semaphore(%run_scoped3A : memref<!tpu.dma_semaphore, #tpu.memory_space<semaphore_mem>>)
      %dma_wait3A = arith.constant 0 : i32
      %dma_wait3A_65 = tpu.memref_slice %arg5[%arg0, %mul3A_60, %dma_wait3A] : memref<2x1024x128xf32, #tpu.memory_space<hbm>> -> memref<1x64x128xf32, #tpu.memory_space<hbm>>
      %dma_wait3A_66 = tpu.memref_squeeze %dma_wait3A_65 : memref<1x64x128xf32, #tpu.memory_space<hbm>> -> memref<64x128xf32, #tpu.memory_space<hbm>>
      %dma_wait3A_67 = arith.constant 0 : i32
      %dma_wait3A_68 = tpu.memref_slice %arg6[%mul3A_58, %dma_wait3A_67] : memref<1025x128xf32, #tpu.memory_space<vmem_shared>> -> memref<64x128xf32, #tpu.memory_space<vmem_shared>>
      tpu.wait_dma2 semaphore(%run_scoped3A : memref<!tpu.dma_semaphore, #tpu.memory_space<semaphore_mem>>) src(%dma_wait3A_68 : memref<64x128xf32, #tpu.memory_space<vmem_shared>>) dst(%dma_wait3A_66 : memref<64x128xf32, #tpu.memory_space<hbm>>)
      tpu.yield
    }) : () -> ()
    return
  }
}

module attributes {stable_mosaic.version = 14 : i64} {
  func.func @_merge_body(%arg0: memref<2x1024x128xf32, #tpu.memory_space<vmem>>, %arg1: memref<1024x128xf32, #tpu.memory_space<vmem>>) attributes {dimension_semantics = [], scalar_prefetch = 0 : i64, scratch_operands = 0 : i64, tpu.core_type = #tpu.core_type<tc>} {
    %get3A = arith.constant 0 : index
    %get3A_0 = arith.constant 0 : index
    %get3A_1 = arith.constant 0 : index
    %get3A_2 = vector.load %arg0[%get3A, %get3A_0, %get3A_1] : memref<2x1024x128xf32, #tpu.memory_space<vmem>>, vector<1x1024x128xf32>
    %get3A_3 = vector.shape_cast %get3A_2 : vector<1x1024x128xf32> to vector<1024x128xf32>
    %get3A_4 = arith.constant 1 : index
    %get3A_5 = arith.constant 0 : index
    %get3A_6 = arith.constant 0 : index
    %get3A_7 = vector.load %arg0[%get3A_4, %get3A_5, %get3A_6] : memref<2x1024x128xf32, #tpu.memory_space<vmem>>, vector<1x1024x128xf32>
    %get3A_8 = vector.shape_cast %get3A_7 : vector<1x1024x128xf32> to vector<1024x128xf32>
    %add3A = arith.addf %get3A_3, %get3A_8 : vector<1024x128xf32>
    %swap3A = arith.constant 0 : index
    %swap3A_9 = arith.constant 0 : index
    %swap3A_10 = vector.load %arg1[%swap3A, %swap3A_9] : memref<1024x128xf32, #tpu.memory_space<vmem>>, vector<1024x128xf32>
    tpu.vector_store %arg1[%swap3A, %swap3A_9], %add3A {strides = array<i32>} : memref<1024x128xf32, #tpu.memory_space<vmem>>, vector<1024x128xf32>,
    return
  }
}

</mosaic_0001>

<sc_bundles>
// kernel: kernel.4.cloned.1.call-start
scs
__scs_entry_jumppad:
0x0: {  	(pc) =	sbr.rel $0x88, $3  }
0x1: {  	(tag) =	ssettag $0x0;
	lr =	simm.s32 $0x1  }
0x2: {  	[smem:$0x3F9F] =	sst lr;
	_ =	strace $0xD0000000  }
0x3: {  	_ = 	snop  }
0x4: {  	_ = 	snop  }
0x5: {  	_ = 	snop  }
0x6: {  	_ = 	snop  }
0x7: {  	_ = 	snop  }
__scs_overlays_trampoline_lowered:
0x8: {  	[smem:$0x3FAE] =	sst s0  }
0x9: {  	[smem:$0x3FAF] =	sst s1  }
0xa: {  	[smem:$0x3FB0] =	sst s2  }
0xb: {  	[smem:$0x3FB1] =	sst s3  }
0xc: {  	[smem:$0x3FB2] =	sst s4  }
0xd: {  	[smem:$0x3FB3] =	sst s5  }
0xe: {  	[smem:$0x3FB4] =	sst s6  }
0xf: {  	[smem:$0x3FB5] =	sst s7  }
0x10: {  	[smem:$0x3FB6] =	sst s8  }
0x11: {  	[smem:$0x3FB7] =	sst s9;
	s0 =	simm.s32 @!p0 $0x0  }
0x12: {  	s1 =	sld [smem:$0x3F9D];
	s0 =	simm.s32 @p0 $0x1  }
0x13: {  	[smem:$0x3FB8] =	sst s0;
	s0 =	simm.s32 @!p1 $0x0  }
0x14: {  	s2 =	sld [smem:$0x3F9C];
	s0 =	simm.s32 @p1 $0x1  }
0x15: {  	[smem:$0x3FB9] =	sst s0;
	s0 =	simm.s32 @!p2 $0x0  }
0x16: {  	s3 =	sld [smem:$0x3FDB];
	s0 =	simm.s32 @p2 $0x1  }
0x17: {  	s4 =	simm.s32 $0x1BF5;
	[smem:$0x3FBB] =	sst s0  }
0x18: {  	s0 =	sld [smem:$0x3F9E];
	_ =	swait.ge [sflag:s4], $0x0  }
0x19: {  	s7 =	sld [smem:$0x3F9F]  }
0x1a: {  	s8 =	sadd.s32 $0xFFFFE003, lr  }
0x1b: {  	s9 =	sadd.s32 $0xFFFFFEF7, lr;
	s5 =	simm.s32 $0xFFFFFFFF;
	p2 =	slt.u32 s8, $0xFFFFF086  }
0x1c: {  	p1 =	slt.u32 s9, $0xF7A;
	s5 =	simm.s32 @!p2 $0x0  }
0x1d: {  	s5 =	simm.s32 @p1 $0x1;
	p0 =	seq.s32 s7, s2  }
0x1e: {  	s7 =	smul.u32 @!p0 $0xF7A, s2;
	p2 =	seq.s32 @!p0 s5, $0x0  }
0x1f: {  	s9 =	smul.u32 $0xF7A, s1;
	s8 =	simm.s32 @!p0 $0x1BF5;
	p2 =	por !p2, p0  }
0x20: {  	[sflag:s8] =	ssyncset.s32 @!p0 $0xFFFFF086;
	s6 =	sadd.s32 @!p0 s3, s7;
	s7 =	simm.s32 @!p0 $0x108  }
0x21: {  	s3 =	sadd.s32 s3, s9;
	s6 =	sadd.s32 @!p0 $0x88, s6;
	s7 =	simm.s32 @p2 $0x1082  }
0x22: {  	[simem:s7], [sflag:s8] =	dma.local @!p0 [hbm:s6], $0xF7A  }
0x23: {  	s9 =	sor.u32 $0xD0000000, s2;
	s6 =	simm.s32 $0x108;
	_ =	swait.ge @!p0 [sflag:s8], $0x0  }
0x24: {  	s3 =	sadd.s32 $0x88, s3;
	s6 =	simm.s32 @!p1 $0x1082;
	[sflag:s4] =	ssyncset.s32 $0xFFFFF086  }
0x25: {  	[simem:s6], [sflag:s4] =	dma.local [hbm:s3], $0xF7A  }
0x26: {  	[smem:$0x3F9F] =	sst s1;
	(tag) =	ssettag s2;
	_ =	strace s9  }
0x27: {  	s1 =	sld [smem:$0x3FAF]  }
0x28: {  	s2 =	sld [smem:$0x3FB0]  }
0x29: {  	s4 =	sld [smem:$0x3FB2]  }
0x2a: {  	p0 =	seq.s32 s5, $0x0;
	s5 =	sld [smem:$0x3FB3]  }
0x2b: {  	s6 =	sld [smem:$0x3FB4]  }
0x2c: {  	s7 =	sld [smem:$0x3FB5]  }
0x2d: {  	s3 =	simm.s32 $0x108;
	s8 =	sld [smem:$0x3FB6]  }
0x2e: {  	s3 =	simm.s32 @!p0 $0x1082;
	s9 =	sld [smem:$0x3FB7]  }
0x2f: {  	lr =	sadd.s32 s0, s3;
	s0 =	sld [smem:$0x3FAE]  }
0x30: {  	s3 =	sld [smem:$0x3FB1]  }
0x31: {  	[smem:$0x3FBA] =	sst s10  }
0x32: {  	s10 =	sld [smem:$0x3FB8];
	_ =	sdelay $0x3  }
0x33: {  	p0 =	seq.s32 s10, $0x1;
	s10 =	sld [smem:$0x3FBA];
	_ =	sdelay $0x3  }
0x34: {  	[smem:$0x3FBA] =	sst s10  }
0x35: {  	s10 =	sld [smem:$0x3FB9];
	_ =	sdelay $0x3  }
0x36: {  	p1 =	seq.s32 s10, $0x1;
	s10 =	sld [smem:$0x3FBA];
	_ =	sdelay $0x3  }
0x37: {  	[smem:$0x3FBA] =	sst s10  }
0x38: {  	s10 =	sld [smem:$0x3FBB]  }
0x39: {  	_ = 	snop;
	(pc) =	sbr.ind lr, $3  }
0x3a: {  	_ = 	snop  }
0x3b: {  	_ = 	snop  }
0x3c: {  	p2 =	seq.s32 s10, $0x1;
	s10 =	sld [smem:$0x3FBA]  }
0x3d: {  	_ =	shalt  }
0x3e: {  	_ =	shalt  }
0x3f: {  	_ =	shalt  }
0x40: {  	_ =	shalt  }
0x41: {  	_ =	shalt  }
0x42: {  	_ =	shalt  }
0x43: {  	_ =	shalt  }
0x44: {  	_ =	shalt  }
0x45: {  	_ =	shalt  }
0x46: {  	_ =	shalt  }
0x47: {  	_ =	shalt  }
0x48: {  	_ =	shalt  }
0x49: {  	_ =	shalt  }
0x4a: {  	_ =	shalt  }
0x4b: {  	_ =	shalt  }
0x4c: {  	_ =	shalt  }
0x4d: {  	_ =	shalt  }
0x4e: {  	_ =	shalt  }
0x4f: {  	_ =	shalt  }
0x50: {  	_ =	shalt  }
0x51: {  	_ =	shalt  }
0x52: {  	_ =	shalt  }
0x53: {  	_ =	shalt  }
0x54: {  	_ =	shalt  }
0x55: {  	_ =	shalt  }
0x56: {  	_ =	shalt  }
0x57: {  	_ =	shalt  }
0x58: {  	_ =	shalt  }
0x59: {  	_ =	shalt  }
0x5a: {  	_ =	shalt  }
0x5b: {  	_ =	shalt  }
0x5c: {  	_ =	shalt  }
0x5d: {  	_ =	shalt  }
0x5e: {  	_ =	shalt  }
0x5f: {  	_ =	shalt  }
0x60: {  	_ =	shalt  }
0x61: {  	_ =	shalt  }
0x62: {  	_ =	shalt  }
0x63: {  	_ =	shalt  }
0x64: {  	_ =	shalt  }
0x65: {  	_ =	shalt  }
0x66: {  	_ =	shalt  }
0x67: {  	_ =	shalt  }
0x68: {  	_ =	shalt  }
0x69: {  	_ =	shalt  }
0x6a: {  	_ =	shalt  }
0x6b: {  	_ =	shalt  }
0x6c: {  	_ =	shalt  }
0x6d: {  	_ =	shalt  }
0x6e: {  	_ =	shalt  }
0x6f: {  	_ =	shalt  }
0x70: {  	_ =	shalt  }
0x71: {  	_ =	shalt  }
0x72: {  	_ =	shalt  }
0x73: {  	_ =	shalt  }
0x74: {  	_ =	shalt  }
0x75: {  	_ =	shalt  }
0x76: {  	_ =	shalt  }
0x77: {  	_ =	shalt  }
0x78: {  	_ =	shalt  }
0x79: {  	_ =	shalt  }
0x7a: {  	_ =	shalt  }
0x7b: {  	_ =	shalt  }
0x7c: {  	_ =	shalt  }
0x7d: {  	_ =	shalt  }
0x7e: {  	_ =	shalt  }
0x7f: {  	_ =	shalt  }
0x80: {  	_ =	shalt  }
0x81: {  	_ =	shalt  }
0x82: {  	_ =	shalt  }
0x83: {  	_ =	shalt  }
0x84: {  	_ =	shalt  }
0x85: {  	_ =	shalt  }
0x86: {  	_ =	shalt  }
0x87: {  	_ =	shalt  }
.Lfunc_end0:
.L_simem_size_0:
called_computation_lowered:
.L_overlay_start_0:
0x88: {  	s2 =	sld [smem:$0x3FD9]  }
0x89: {  	s3 =	sld [smem:$0x3FFE];
	_ =	sdelay $0x1  }
0x8a: {  	s1 =	srdreg.scid  }
0x8b: {  	s0 =	sand.u32 $0x1, s1  }
0x8c: {  	s17 =	sshll.u32 s0, $0xA;
	s2 =	sadd.s32 s3, s2  }
0x8d: {  	s2 =	sadd.s32 s2, s17  }
0x8e: {  	[smem:$0x3FC6] =	sst s2  }
0x8f: {  	_ = 	snop  }
0x90: {  	s2 =	sld [smem:$0x3FC9]  }
0x91: {  	s18 =	sld [smem:$0x3FD0];
	(tm) =	ssettm $0x1  }
0x92: {  	s4 =	sld [smem:$0x3FFB];
	_ =	sdelay $0x3  }
0x93: {  	_ =	strace s4  }
0x94: {  	s4 =	sld [smem:$0x3FFC];
	_ =	sdelay $0x3  }
0x95: {  	_ =	strace s4  }
0x96: {  	s4 =	sld [smem:$0x3FFD];
	_ =	sdelay $0x3  }
0x97: {  	_ =	strace s4  }
0x98: {  	_ =	strace $0x8FFFFFFF  }
0x99: {  	s19 =	sld [smem:$0x3FDB];
	_ =	sdelay $0x1  }
0x9a: {  	s5 =	simm.s32 $_scs_section_size  }
0x9b: {  	s6 =	simm.s32 $_size__tile_overlayer_lowered;
	s7 =	simm.s32 $_tile_overlayer_lowered  }
0x9c: {  	s22 =	simm.s32 $0x1BFF;
	s21 =	sshll.u32 s7, $0x1;
	s4 =	sadd.s32 s5, s19  }
0x9d: {  	s8 =	simm.s32 $0x0;
	s20 =	sshll.u32 s6, $0x1;
	s6 =	sadd.s32 s21, s4  }
0x9e: {  	[timem:s8], [sflag:s22] =	dma.local [hbm:s6], s20  }
0x9f: {  	_ =	swait.ge [sflag:s22], s20  }
0xa0: {  	s5 =	ssub.s32 $0x0, s20;
	[sflag:s22] =	ssyncset.done $0x0  }
0xa1: {  	[sflag:s22] =	ssyncadd.s32 s5;
	_ =	sdelay $0x1  }
0xa2: {  	s23 =	simm.s32 $0x1B8B  }
0xa3: {  	_ =	swait.ge [sflag:s23], $0x1  }
0xa4: {  	[sflag:s23] =	ssyncset.done $0x0  }
0xa5: {  	s25 =	simm.s32 $0x1B8E;
	s24 =	sld [smem:$0x3FFE];
	[sflag:s23] =	ssyncadd.s32 $0xFFFFFFFF  }
0xa6: {  	s26 =	simm.s32 $execute0_lowered;
	[smem:$0x3FD2] =	sst s25  }
0xa7: {  	s6 =	sshll.u32 s26, $0x1;
	_ =	strace $0x80000046;
	[dreg:$0x1] =	wrdreg $0xFFFFFFFF  }
0xa8: {  	s28 =	simm.s32 $_size_execute0_lowered;
	s4 =	sadd.s32 s4, s6;
	[dreg:$0x0] =	wrdreg $0x0  }
0xa9: {  	s6 =	sshll.u32 s28, $0x1;
	[dreg:$0x2] =	wrdreg s4  }
0xaa: {  	[dreg:$0x3] =	wrdreg s6  }
0xab: {  	[dreg:$0x4] =	wrdreg $0xC0  }
0xac: {  	_ =	task [dreg:s8], $0x5FFFF  }
0xad: {  	[dreg:$0x1] =	wrdreg $0xFFFFFFFF  }
0xae: {  	[dreg:$0x0] =	wrdreg $0x60  }
0xaf: {  	[dreg:$0x2] =	wrdreg s2  }
0xb0: {  	[dreg:$0x3] =	wrdreg s18  }
0xb1: {  	[dreg:$0x4] =	wrdreg s24  }
0xb2: {  	[dreg:$0x5] =	wrdreg $0x0  }
0xb3: {  	[dreg:$0x6] =	wrdreg $0x9  }
0xb4: {  	_ =	task.clear_ibuf [dreg:s8], $0x7FFFF;
	_ =	strace $0x90000046  }
0xb5: {  	s29 =	simm.s32 $0x9;
	_ =	strace $0x80000048  }
0xb6: {  	_ =	swait.ge [sflag:s29], $0x1  }
0xb7: {  	[sflag:s29] =	ssyncadd.s32 $0xFFFFFFFF  }
0xb8: {  	_ =	strace $0x90000048  }
0xb9: {  	_ =	sfence  }
0xba: {  	s30 =	sld [smem:$0x0];
	_ =	sdelay $0x2  }
0xbb: {  	s31 =	sshll.u32 s1, $0xD;
	s1 =	sshrl.u32 s1, $0x2  }
0xbc: {  	s3 =	sand.u32 $0x4000, s31;
	s1 =	sadd.s32 s1, s30  }
0xbd: {  	s0 =	sor.u32 s3, s0;
	s1 =	sshll.u32 s1, $0x11  }
0xbe: {  	s0 =	sor.u32 s1, s0  }
0xbf: {  	s0 =	sadd.s32 $0x8F2B, s0  }
0xc0: {  	[sflag:s0] =	ssyncadd.remote.s32 $0x1  }
0xc1: {  	_ =	sfence.sel $0xFFFF  }
0xc2: {  	[dreg:$0x0] =	wrdreg $0xFFFFFFFF;
	(pc) =	sbr.abs _section_cstart, $3  }
0xc3: {  	[dreg:$0x1] =	wrdreg $0xFFFFFFFF  }
0xc4: {  	_ =	task.clear_ibuf [dreg:s8], $0x2FFFF;
	_ =	strace $0x9FFFFFFF  }
0xc5: {  	(tm) =	ssettm $0x7FFFFFFF  }
tec
execute0_lowered:
.L_overlay_start_1:
0x0: {  	(tag) =	ssettag $0x1  }
0x1: {  	s1 =	rddreg [dreg:$0x0]  }
0x2: {  	s5 =	rddreg [dreg:$0x1]  }
0x3: {  	s6 =	rddreg [dreg:$0x2]  }
0x4: {  	s2 =	rddreg [dreg:$0x3]  }
0x5: {  	s0 =	rddreg [dreg:$0x4];
	s3 =	simm.s32 $0x0;
	s4 =	srdreg.scid  }
0x6: {  	s11 =	stileid.u32;
	[smem:$0x7FF] =	sst s3  }
0x7: {  	s8 =	sand.u32 $0x1, s4;
	s4 =	sadd.s32 $0x600, s6;
	s10 =	sshll.u32 s11, $0xA  }
0x8: {  	s28 =	sshll.u32 s11, $0xD;
	s30 =	sshll.u32 s11, $0x6;
	s16 =	smul.u32 $0x30E, s11  }
0x9: {  	p0 =	sne.s32 s11, $0x0;
	_ =	strace $0x80000047;
	s7 =	sshll.u32 s8, $0x4  }
0xa: {  	s9 =	ssub.s32 $0x2, s8;
	s10 =	sadd.s32 s10, s6;
	s29 =	sadd.s32 s28, s2  }
0xb: {  	s15 =	smul.u32 $0x30E0, s8;
	s6 =	sor.u32 $0x1C01, s30;
	s8 =	sshll.u32 s8, $0xE  }
0xc: {  	s7 =	sor.u32 s11, s7;
	s12 =	sshrl.u32 s9, $0x1;
	s8 =	sadd.s32 s8, s10  }
0xd: {  	s11 =	sshrl.u32 s29, $0x3;
	s13 =	smul.u32 $0x30E, s7;
	s9 =	ssub.s32 s9, s12  }
0xe: {  	s7 =	sshll.u32 s7, $0x9;
	s31 =	sadd.s32 s16, s15;
	s8 =	sadd.s32 $0xA00, s8  }
0xf: {  	s12 =	simm.s32 $0x1;
	s14 =	sshrl.u32 s13, $0x5;
	s13 =	sadd.s32 $0x30E, s13  }
0x10: {  	s5 =	sadd.s32 s5, s7;
	s9 =	smax.u32 s9, $0x1;
	s13 =	sshrl.u32 s13, $0x5  }
0x11: {  	s10 =	sshll.u32 s31, $0x2;
	s7 =	ssub.s32 s13, s14;
	s13 =	sadd.s32 $0x20000, s2  }
0x12: {  	s10 =	sand.u32 $0x1FF80, s10;
	s14 =	simm.s32 $0x0;
	s13 =	sshrl.u32 @!p0 s13, $0x3  }
.LBB2_1:
0x13: {  	[spmem:s11], [sflag:s6] =	dma.local [hbm:s4], $0x400  }
0x14: {  	_ =	swait.ge [sflag:s12], $0x400  }
0x15: {  	[sflag:s12] =	ssyncset.done $0x0  }
0x16: {  	s15 =	simm.s32 @!p0 $0x1;
	[sflag:s12] =	ssyncadd.s32 $0xFFFFFC00  }
0x17: {  	[spmem:s13], [sflag:s6] =	dma.local @!p0 [hbm:s4], $0x10  }
0x18: {  	p1 =	sle.s32 s7, $0x0;
	_ =	swait.ge @!p0 [sflag:s15], $0x10  }
0x19: {  	p2 =	slt.s32 @!p1 s10, $0x18620;
	[sflag:s15] =	ssyncset.done @!p0 $0x0  }
0x1a: {  	s16 =	simm.s32 $0x2008;
	p2 =	por !p2, p1;
	[sflag:s15] =	ssyncadd.s32 @!p0 $0xFFFFFFF0  }
0x1b: {  	[tilespmem:s16], [sflag:$0x1] =	stream.linear.gather [hbm4b:s5+s3], $0xC80, $0x38;
	[tilespmem:$0x7008] =	vst v63  }
0x1c: {  	p1 =	por p1, p1;
	s15 =	smov.u32 s10;
	_ =	swait.ge [sflag:s12], $0xC80  }
0x1d: {  	s17 =	simm.s32 @!p1 $0x2;
	s15 =	simm.s32 @p2 $0x18620;
	[sflag:s12] =	ssyncset.done $0x0  }
0x1e: {  	s18 =	simm.s32 @!p1 $0x0;
	s15 =	sshll.u32 @!p1 s15, $0x4;
	[sflag:s12] =	ssyncadd.s32 $0xFFFFF380  }
0x1f: {  	s19 =	simm.s32 @!p1 $0x3008;
	s15 =	sadd.s32 @!p1 s1, s15;
	[bflag:$0x0] =	sbarrier.arrive $0xFFFF  }
0x20: {  	[tilespmem:s19], [sflag:$0x2] =	stream.linear.gather @!p1 [hbm4b:s15+s18], $0x4000, $0x38;
	[tilespmem:$0x7008] =	vst v63  }
0x21: {  	p2 =	sle.s32 s7, $0x1;
	_ =	swait.ge @!p1 [sflag:s17], $0x4000  }
0x22: {  	s15 =	sadd.s32 $0x80, s10;
	s18 =	simm.s32 @!p1 $0x1;
	[sflag:s17] =	ssyncset.done @!p1 $0x0  }
0x23: {  	p3 =	slt.s32 @!p2 s15, $0x18620;
	[sflag:s17] =	ssyncadd.s32 @!p1 $0xFFFFC000;
	s17 =	simm.s32 @!p1 $0x80  }
0x24: {  	[spmem:s2] =	stream.indirect.scatter.add.f32 @!p1 [tilespmem:s19], [sflag:$0x1], $0x80, s16, s17, $0xb8;
	[tilespmem:$0x7008] =	vst v63  }
0x25: {  	p4 =	por !p3, p2;
	_ =	swait.ge @!p1 [sflag:s18], $0x4000  }
0x26: {  	s17 =	simm.s32 $0x2;
	s16 =	simm.s32 $0x2088;
	[sflag:s18] =	ssyncset.done @!p1 $0x0  }
.LBB2_2:
0x27: {  	s19 =	smov.u32 s15;
	[sflag:s18] =	ssyncadd.s32 @!p1 $0xFFFFC000;
	s20 =	smov.u32 s17  }
0x28: {  	s17 =	sadd.s32 $0x1, s17;
	p1 =	por p2, p2;
	s19 =	simm.s32 @p4 $0x18620  }
0x29: {  	p3 =	sne.s32 s17, $0x19;
	s18 =	sshll.u32 @!p1 s19, $0x4;
	s19 =	simm.s32 @!p1 $0x2  }
0x2a: {  	s21 =	simm.s32 @!p1 $0x0;
	s22 =	simm.s32 @!p1 $0x3008;
	s18 =	sadd.s32 @!p1 s1, s18  }
0x2b: {  	[tilespmem:s22], [sflag:$0x2] =	stream.linear.gather @!p1 [hbm4b:s18+s21], $0x4000, $0x38;
	[tilespmem:$0x7008] =	vst v63  }
0x2c: {  	s15 =	sadd.s32 $0x80, s15;
	_ =	swait.ge @!p1 [sflag:s19], $0x4000  }
.Ltmp0:
0x2d: {  	s18 =	simm.s32 @!p1 $0x1;
	[sflag:s19] =	ssyncset.done @!p1 $0x0;
	(pc) =	sbr.rel @p3 .LBB2_2-.Ltmp0, $4  }
0x2e: {  	p2 =	sge.s32 s20, s7;
	[sflag:s19] =	ssyncadd.s32 @!p1 $0xFFFFC000;
	s19 =	simm.s32 @!p1 $0x80  }
0x2f: {  	[spmem:s2] =	stream.indirect.scatter.add.f32 @!p1 [tilespmem:s22], [sflag:$0x1], $0x80, s16, s19, $0xb8;
	[tilespmem:$0x7008] =	vst v63  }
0x30: {  	p4 =	slt.s32 @!p2 s15, $0x18620;
	_ =	swait.ge @!p1 [sflag:s18], $0x4000  }
0x31: {  	p4 =	por !p4, p2;
	s16 =	sadd.s32 $0x80, s16;
	[sflag:s18] =	ssyncset.done @!p1 $0x0  }
0x32: {  	s15 =	simm.s32 @p4 $0x18620;
	p2 =	por p2, p2  }
0x33: {  	[sflag:s18] =	ssyncadd.s32 @!p1 $0xFFFFC000;
	s15 =	sshll.u32 @!p2 s15, $0x4;
	s17 =	simm.s32 @!p2 $0x2  }
0x34: {  	s18 =	simm.s32 @!p2 $0x0;
	s19 =	simm.s32 @!p2 $0x3008;
	s15 =	sadd.s32 @!p2 s1, s15  }
0x35: {  	[tilespmem:s19], [sflag:$0x2] =	stream.linear.gather @!p2 [hbm4b:s15+s18], $0x4000, $0x38;
	[tilespmem:$0x7008] =	vst v63  }
0x36: {  	_ =	swait.ge @!p2 [sflag:s17], $0x4000  }
0x37: {  	[sflag:s17] =	ssyncset.done @!p2 $0x0  }
0x38: {  	s15 =	simm.s32 @!p2 $0x1;
	[sflag:s17] =	ssyncadd.s32 @!p2 $0xFFFFC000;
	s17 =	simm.s32 @!p2 $0x80  }
0x39: {  	[spmem:s2] =	stream.indirect.scatter.add.f32 @!p2 [tilespmem:s19], [sflag:$0x1], $0x80, s16, s17, $0xb8;
	[tilespmem:$0x7008] =	vst v63  }
0x3a: {  	_ =	swait.ge @!p2 [sflag:s15], $0x4000  }
0x3b: {  	s14 =	sadd.s32 $0x1, s14;
	[sflag:s15] =	ssyncset.done @!p2 $0x0  }
0x3c: {  	p1 =	sne.s32 s14, s9;
	[sflag:s15] =	ssyncadd.s32 @!p2 $0xFFFFC000  }
.Ltmp1:
0x3d: {  	[bflag:$0x0] =	sbarrier.arrive $0xFFFF;
	(pc) =	sbr.rel @p1 .LBB2_1-.Ltmp1, $4  }
0x3e: {  	[hbm:s8], [sflag:s6] =	dma.local [spmem:s11], $0x400  }
0x3f: {  	_ =	swait.ge [sflag:s12], $0x400  }
0x40: {  	[sflag:s12] =	ssyncset.done $0x0  }
0x41: {  	[sflag:s12] =	ssyncadd.s32 $0xFFFFFC00  }
0x42: {  	_ =	sfence.sel $0x180000  }
0x43: {  	[bflag:$0x0] =	sbarrier.arrive $0xFFFF  }
0x44: {  	_ =	strace $0x90000047  }
0x45: {  	s0 =	sadd.s32 @!p0 $0x100000, s0;
	[bflag:$0x2] =	sbarrier.arrive $0xFFFF  }
0x46: {  	[sflag:s0] =	ssyncadd.tile.s32 @!p0 $0x1;
	_ =	shalt  }
.Lfunc_end2:
_tile_overlayer_lowered:
.L_overlay_start_2:
0x47: {  	(tag) =	ssettag $0x2  }
0x48: {  	s0 =	rddreg [dreg:$0x0];
	s2 =	stileid.u32  }
0x49: {  	s1 =	rddreg [dreg:$0x1];
	p0 =	sne.s32 s2, $0x0  }
0x4a: {  	s3 =	rddreg [dreg:$0x2];
	[bflag:$0x3] =	sbarrier.arrive $0xFFFF;
	s2 =	simm.s32 @!p0 $0x1C01  }
0x4b: {  	[timem:s3], [sflag:s2] =	dma.local @!p0 [hbm:s0], s1  }
0x4c: {  	s0 =	simm.s32 @!p0 $0x1  }
0x4d: {  	_ =	swait.ge @!p0 [sflag:s0], s1  }
0x4e: {  	s1 =	ssub.s32 @!p0 $0x0, s1;
	[sflag:s0] =	ssyncset.done @!p0 $0x0  }
0x4f: {  	[sflag:s0] =	ssyncadd.s32 @!p0 s1  }
0x50: {  	[bflag:$0x3] =	sbarrier.arrive $0xFFFF  }
0x51: {  	_ =	shalt  }

</sc_bundles>
